<compile_context>
chip_gen: v7x
topology: tpu7x:2x2x1
jax: 0.10.2.dev20260603
libtpu: 0.0.44.dev20260713+nightly
codegen_flags: <defaults>
</compile_context>

<pallas_src>
import functools

import jax
import jax.numpy as jnp
from jax.experimental import pallas as pl

_ROWS = 256


def _logsoftmax_kernel(x_ref, wt_ref, b_ref, o_ref):
    logits = (
        jnp.dot(x_ref[...], wt_ref[...], preferred_element_type=jnp.float32)
        + b_ref[...]
    )
    m = jnp.max(logits, axis=1, keepdims=True)
    lse = jnp.log(jnp.sum(jnp.exp(logits - m), axis=1, keepdims=True))
    o_ref[...] = logits - m - lse


@jax.jit
def kernel(x, xl, W, b):
    B, T, D = x.shape
    V = W.shape[0]
    rows = B * T
    x2 = x.reshape(rows, D).astype(jnp.bfloat16)
    wt = W.T.astype(jnp.bfloat16)
    b2 = b.reshape(1, V)

    out = pl.pallas_call(
        _logsoftmax_kernel,
        grid=(rows // _ROWS,),
        in_specs=[
            pl.BlockSpec((_ROWS, D), lambda i: (i, 0)),
            pl.BlockSpec((D, V), lambda i: (0, 0)),
            pl.BlockSpec((1, V), lambda i: (0, 0)),
        ],
        out_specs=pl.BlockSpec((_ROWS, V), lambda i: (i, 0)),
        out_shape=jax.ShapeDtypeStruct((rows, V), jnp.float32),
    )(x2, wt, b2)
    return out.reshape(B, T, V)

# --- scband reference (transcript-rebuilt; emitter-appended) ---
"""Pipeline reference for scband-ctcdecoder-74766790689111 (READ-ONLY COPY).

The authoritative reference and input builder live on the scoring server;
editing this copy changes nothing except your own understanding.
"""

import jax, jax.numpy as jnp
import numpy as np

IDIMS = 128
VOCAB = 5000
B = 16
T = 2048

def setup_inputs(seed: int = 0) -> dict:
    key = jax.random.key(seed)
    k1, k2, k3, k4 = jax.random.split(key, 4)
    x = jax.random.normal(k1, (B, T, IDIMS), dtype=jnp.float32)
    xl = jax.random.randint(k2, (B,), 1, T + 1, dtype=jnp.int64 if jax.config.read('jax_enable_x64') else jnp.int32)
    # Linear layer params (torch nn.Linear: y = x @ W.T + b); store W as [VOCAB, IDIMS]
    bound = 1.0 / np.sqrt(IDIMS)
    W = jax.random.uniform(k3, (VOCAB, IDIMS), minval=-bound, maxval=bound, dtype=jnp.float32)
    b = jax.random.uniform(k4, (VOCAB,), minval=-bound, maxval=bound, dtype=jnp.float32)
    return {"x": x, "xl": xl, "W": W, "b": b}

def reference(x, xl, W, b):
    # CTCdecoder.forward: log_softmax(fc(x), dim=-1); xl is carried but unused
    logits = jnp.einsum('btd,vd->btv', x, W) + b
    return jax.nn.log_softmax(logits, axis=-1)

if __name__ == "__main__":
    import jax
    _d = setup_inputs()
    print(jax.jit(kernel)(*tuple(_d.values())))

</pallas_src>

<mosaic_0001>
module attributes {stable_mosaic.version = 14 : i64} {
  func.func @_logsoftmax_kernel(%arg0: i32, %arg1: memref<256x128xbf16, #tpu.memory_space<vmem>>, %arg2: memref<128x5000xbf16, #tpu.memory_space<vmem>>, %arg3: memref<1x5000xf32, #tpu.memory_space<vmem>>, %arg4: memref<256x5000xf32, #tpu.memory_space<vmem>>) attributes {dimension_semantics = [#tpu.dimension_semantics<arbitrary>], iteration_bounds = array<i64: 128>, scalar_prefetch = 0 : i64, scratch_operands = 0 : i64, tpu.core_type = #tpu.core_type<tc>, window_params = [{transform_indices = @transform_0, window_bounds = array<i64: 256, 128>}, {pipeline_mode = #tpu.pipeline_mode<synchronous>, transform_indices = @transform_1, window_bounds = array<i64: 128, 5000>}, {pipeline_mode = #tpu.pipeline_mode<synchronous>, transform_indices = @transform_2, window_bounds = array<i64: 1, 5000>}, {transform_indices = @transform_3, window_bounds = array<i64: 256, 5000>}]} {
    %get3A = arith.constant 0 : index
    %get3A_0 = arith.constant 0 : index
    %get3A_1 = vector.load %arg1[%get3A, %get3A_0] : memref<256x128xbf16, #tpu.memory_space<vmem>>, vector<256x128xbf16>
    %get3A_2 = arith.constant 0 : index
    %get3A_3 = arith.constant 0 : index
    %get3A_4 = vector.load %arg2[%get3A_2, %get3A_3] : memref<128x5000xbf16, #tpu.memory_space<vmem>>, vector<128x5000xbf16>
    %dot_general3A = arith.constant dense<0.000000e+00> : vector<256x5000xf32>
    %dot_general3A_5 = tpu.matmul %get3A_1, %get3A_4, %dot_general3A {dimension_numbers = #tpu.dot_dimension_numbers<[1], [0], [0], [1], [0, 0, 1, 1], [], []>, transpose_lhs_hint = false} : vector<256x128xbf16>, vector<128x5000xbf16>, vector<256x5000xf32> -> vector<256x5000xf32>
    %get3A_6 = arith.constant 0 : index
    %get3A_7 = arith.constant 0 : index
    %get3A_8 = vector.load %arg3[%get3A_6, %get3A_7] : memref<1x5000xf32, #tpu.memory_space<vmem>>, vector<1x5000xf32>
    %add3A = vector.broadcast %get3A_8 : vector<1x5000xf32> to vector<256x5000xf32>
    %add3A_9 = arith.addf %dot_general3A_5, %add3A : vector<256x5000xf32>
    %reduce_max3A = arith.constant dense<0xFF800000> : vector<256xf32>
    %reduce_max3A_10 = vector.multi_reduction <maximumf>, %add3A_9, %reduce_max3A [1] : vector<256x5000xf32> to vector<256xf32>
    %broadcast_in_dim3A = vector.shape_cast %reduce_max3A_10 : vector<256xf32> to vector<256x1xf32>
    %sub3A = vector.broadcast %broadcast_in_dim3A : vector<256x1xf32> to vector<256x5000xf32>
    %sub3A_11 = arith.subf %add3A_9, %sub3A : vector<256x5000xf32>
    %exp3A = math.exp %sub3A_11 : vector<256x5000xf32>
    %reduce_sum3A = arith.constant dense<0.000000e+00> : vector<256xf32>
    %reduce_sum3A_12 = vector.multi_reduction <add>, %exp3A, %reduce_sum3A [1] : vector<256x5000xf32> to vector<256xf32>
    %broadcast_in_dim3A_13 = vector.shape_cast %reduce_sum3A_12 : vector<256xf32> to vector<256x1xf32>
    %log3A = math.log %broadcast_in_dim3A_13 : vector<256x1xf32>
    %sub3A_14 = vector.broadcast %broadcast_in_dim3A : vector<256x1xf32> to vector<256x5000xf32>
    %sub3A_15 = arith.subf %add3A_9, %sub3A_14 : vector<256x5000xf32>
    %sub3A_16 = vector.broadcast %log3A : vector<256x1xf32> to vector<256x5000xf32>
    %sub3A_17 = arith.subf %sub3A_15, %sub3A_16 : vector<256x5000xf32>
    %swap3A = arith.constant 0 : index
    %swap3A_18 = arith.constant 0 : index
    %swap3A_19 = vector.load %arg4[%swap3A, %swap3A_18] : memref<256x5000xf32, #tpu.memory_space<vmem>>, vector<256x5000xf32>
    tpu.vector_store %arg4[%swap3A, %swap3A_18], %sub3A_17 {strides = array<i32>} : memref<256x5000xf32, #tpu.memory_space<vmem>>, vector<256x5000xf32>,
    return
  }
  func.func @transform_0(%arg0: i32) -> (i32, i32) {
    %c0_i32 = arith.constant 0 : i32
    %c0_i32_0 = arith.constant 0 : i32
    return %arg0, %c0_i32 : i32, i32
  }
  func.func @transform_1(%arg0: i32) -> (i32, i32) {
    %c0_i32 = arith.constant 0 : i32
    %c0_i32_0 = arith.constant 0 : i32
    %c0_i32_1 = arith.constant 0 : i32
    return %c0_i32, %c0_i32_0 : i32, i32
  }
  func.func @transform_2(%arg0: i32) -> (i32, i32) {
    %c0_i32 = arith.constant 0 : i32
    %c0_i32_0 = arith.constant 0 : i32
    %c0_i32_1 = arith.constant 0 : i32
    return %c0_i32, %c0_i32_0 : i32, i32
  }
  func.func @transform_3(%arg0: i32) -> (i32, i32) {
    %c0_i32 = arith.constant 0 : i32
    %c0_i32_0 = arith.constant 0 : i32
    return %arg0, %c0_i32 : i32, i32
  }
}

</mosaic_0001>

<sc_bundles>
// kernel: sparse-core-data-format-call.cloned.1.call-start
scs
called_computation_lowered:
.L_overlay_start_0:
0x0: {  	s2 =	sld [smem:$0x3FD9]  }
0x1: {  	s3 =	sld [smem:$0x3FFE];
	_ =	sdelay $0x1  }
0x2: {  	s1 =	srdreg.scid  }
0x3: {  	s0 =	sand.u32 $0x1, s1  }
0x4: {  	s18 =	sshll.u32 s0, $0xA;
	s2 =	sadd.s32 s3, s2  }
0x5: {  	s2 =	sadd.s32 s2, s18  }
0x6: {  	[smem:$0x3FC5] =	sst s2  }
0x7: {  	_ = 	snop  }
0x8: {  	s2 =	sld [smem:$0x3FD0];
	(tm) =	ssettm $0x1  }
0x9: {  	s19 =	sld [smem:$0x3FFB];
	_ =	sdelay $0x3  }
0xa: {  	_ =	strace s19  }
0xb: {  	s3 =	sld [smem:$0x3FFC];
	_ =	sdelay $0x3  }
0xc: {  	_ =	strace s3  }
0xd: {  	s3 =	sld [smem:$0x3FFD];
	_ =	sdelay $0x3  }
0xe: {  	_ =	strace s3  }
0xf: {  	_ =	strace $0x8FFFFFFF  }
0x10: {  	s20 =	sld [smem:$0x3FDB];
	_ =	sdelay $0x1  }
0x11: {  	s4 =	simm.s32 $_scs_section_size  }
0x12: {  	s5 =	simm.s32 $_size__tile_overlayer_lowered;
	s6 =	simm.s32 $_tile_overlayer_lowered  }
0x13: {  	s23 =	simm.s32 $0x1BFF;
	s22 =	sshll.u32 s6, $0x1;
	s3 =	sadd.s32 s4, s20  }
0x14: {  	s7 =	simm.s32 $0x0;
	s21 =	sshll.u32 s5, $0x1;
	s5 =	sadd.s32 s22, s3  }
0x15: {  	[timem:s7], [sflag:s23] =	dma.local [hbm:s5], s21  }
0x16: {  	_ =	swait.ge [sflag:s23], s21  }
0x17: {  	s4 =	ssub.s32 $0x0, s21;
	[sflag:s23] =	ssyncset.done $0x0  }
0x18: {  	[sflag:s23] =	ssyncadd.s32 s4;
	_ =	sdelay $0x1  }
0x19: {  	s24 =	simm.s32 $0x1B8B  }
0x1a: {  	_ =	swait.ge [sflag:s24], $0x1  }
0x1b: {  	[sflag:s24] =	ssyncset.done $0x0  }
0x1c: {  	s26 =	simm.s32 $0x1B8E;
	s25 =	sld [smem:$0x3FFE];
	[sflag:s24] =	ssyncadd.s32 $0xFFFFFFFF  }
0x1d: {  	s27 =	simm.s32 $execute0_lowered;
	[smem:$0x3FD2] =	sst s26  }
0x1e: {  	s5 =	sshll.u32 s27, $0x1;
	_ =	strace $0x80000046;
	[dreg:$0x1] =	wrdreg $0xFFFFFFFF  }
0x1f: {  	s28 =	simm.s32 $_size_execute0_lowered;
	s3 =	sadd.s32 s3, s5;
	[dreg:$0x0] =	wrdreg $0x0  }
0x20: {  	s5 =	sshll.u32 s28, $0x1;
	[dreg:$0x2] =	wrdreg s3  }
0x21: {  	[dreg:$0x3] =	wrdreg s5  }
0x22: {  	[dreg:$0x4] =	wrdreg $0xC0  }
0x23: {  	_ =	task [dreg:s7], $0x5FFFF  }
0x24: {  	[dreg:$0x1] =	wrdreg $0xFFFFFFFF  }
0x25: {  	[dreg:$0x0] =	wrdreg $0x60  }
0x26: {  	[dreg:$0x2] =	wrdreg s25  }
0x27: {  	[dreg:$0x3] =	wrdreg s2  }
0x28: {  	[dreg:$0x4] =	wrdreg $0x9  }
0x29: {  	_ =	task.clear_ibuf [dreg:s7], $0x5FFFF;
	_ =	strace $0x90000046  }
0x2a: {  	s29 =	simm.s32 $0x9;
	_ =	strace $0x80000048  }
0x2b: {  	_ =	swait.ge [sflag:s29], $0x1  }
0x2c: {  	[sflag:s29] =	ssyncadd.s32 $0xFFFFFFFF  }
0x2d: {  	_ =	strace $0x90000048  }
0x2e: {  	_ =	sfence  }
0x2f: {  	s30 =	sld [smem:$0x0];
	_ =	sdelay $0x2  }
0x30: {  	s31 =	sshll.u32 s1, $0xD;
	s1 =	sshrl.u32 s1, $0x2  }
0x31: {  	s3 =	sand.u32 $0x4000, s31;
	s1 =	sadd.s32 s1, s30  }
0x32: {  	s0 =	sor.u32 s3, s0;
	s1 =	sshll.u32 s1, $0x11  }
0x33: {  	s0 =	sor.u32 s1, s0  }
0x34: {  	s0 =	sadd.s32 $0x8F2B, s0  }
0x35: {  	[sflag:s0] =	ssyncadd.remote.s32 $0x1  }
0x36: {  	_ =	sfence.sel $0xFFFF  }
0x37: {  	[dreg:$0x0] =	wrdreg $0xFFFFFFFF;
	(pc) =	sbr.abs _section_cstart, $3  }
0x38: {  	[dreg:$0x1] =	wrdreg $0xFFFFFFFF  }
0x39: {  	_ =	task.clear_ibuf [dreg:s7], $0x2FFFF;
	_ =	strace $0x9FFFFFFF  }
0x3a: {  	(tm) =	ssettm $0x7FFFFFFF  }
0x3b: {  	_ =	shalt  }
tec
execute0_lowered:
.L_overlay_start_1:
0x0: {  	(tag) =	ssettag $0x1  }
0x1: {  	s3 =	rddreg [dreg:$0x0]  }
0x2: {  	s0 =	srdreg.scid;
	s2 =	rddreg [dreg:$0x1]  }
0x3: {  	s7 =	simm.s32 $0x2;
	s16 =	simm.s32 $0x0;
	p0 =	por $0x0, $0x0  }
0x4: {  	s8 =	simm.s32 $0x4000;
	s17 =	simm.s32 $0x0;
	s0 =	sshll.u32 s0, $0x7  }
0x5: {  	s18 =	simm.s32 $0x0;
	s9 =	simm.s32 $0x0;
	s1 =	sand.u32 $0x80, s0  }
0x6: {  	s10 =	simm.s32 $0x0;
	s11 =	simm.s32 $0x0;
	s4 =	ssub.s32 $0x800, s1  }
0x7: {  	s12 =	simm.s32 $0x0;
	s14 =	stileid.u32;
	s5 =	sshrl.u32 s4, $0x7  }
.Ltmp0:
0x8: {  	s6 =	sshrl.u32 s4, $0x8;
	s5 =	sand.u32 $0x1, s5;
	(pc) =	sbr.rel .LBB1_1-.Ltmp0, $4  }
0x9: {  	s15 =	simm.s32 $0x0;
	s0 =	rddreg [dreg:$0x2];
	s5 =	sadd.s32 s6, s5  }
0xa: {  	_ =	strace $0x80000047;
	s4 =	simm.s32 $0x1;
	s5 =	smul.u32 $0x28, s5  }
0xb: {  	s13 =	smov.u32 s1;
	[sflag:s4] =	ssyncpa.u1 $0x0;
	s6 =	sadd.s32 $0x600, s3  }
0xc: {  	s3 =	stileid.u32;
	[sflag:s7] =	ssyncpa.u1 $0x0;
	s7 =	sor.u32 $0x1, s5  }
.LBB1_4:
0xd: {  	s24 =	sshll.u32 s9, $0xB;
	s23 =	sshra.s32 s23, $0x2;
	s25 =	sshll.u32 s10, $0x3  }
0xe: {  	p1 =	sgt.s32 s11, $0xF;
	s26 =	smov.u32 s11;
	s27 =	sshra.s32 s11, $0x1F  }
0xf: {  	p2 =	sgt.s32 s10, $0x780;
	s31 =	sshra.s32 s10, $0x1F;
	s30 =	sshra.s32 s9, $0x1F  }
0x10: {  	s24 =	sand.u32 $0xFFFFC000, s24;
	s28 =	sand.u32 $0xFFFFFC00, s25;
	s26 =	simm.s32 @!p1 $0xF  }
0x11: {  	s27 =	sand.u32 s27, s11;
	s22 =	sadd.s32 s23, s22;
	s29 =	sand.u32 s31, s10  }
0x12: {  	s23 =	sadd.s32 s28, s24;
	s24 =	ssub.s32 s26, s27;
	s27 =	smov.u32 s10  }
0x13: {  	[tilespmem:s21+$0x2040 ss:$0x81] =	vst.msk $0xffff, v4;
	s28 =	smov.u32 s9;
	s26 =	sadd.s32 $0xFFFFFFF1, s24;
	s27 =	simm.s32 @!p2 $0x780  }
0x14: {  	[tilespmem:s21+$0x2850 ss:$0x81] =	vst.msk $0xffff, v3;
	p2 =	sgt.s32 s9, $0x1308;
	s23 =	sshrl.u32 s23, $0xB;
	s24 =	ssub.s32 $0x10, s24  }
0x15: {  	v5 =	vld [tilespmem:s20+$0xFFFFFFD0];
	[tilespmem:s21+$0x3060 ss:$0x81] =	vst.msk $0xffff, v2;
	p1 =	sgt.s32 s26, $0x0;
	s26 =	ssub.s32 s27, s29;
	s28 =	simm.s32 @!p2 $0x1308  }
0x16: {  	v58 =	vld [tilespmem:s20+$0xFFFFFFE0];
	[tilespmem:s21+$0x0 ss:$0x81] =	vst.msk $0xffff, v0;
	s27 =	sand.u32 s30, s9;
	s21 =	smulhi.u32 $0x1A36E3, s23;
	s30 =	sshll.u32 s9, $0x7  }
0x17: {  	v59 =	vld [tilespmem:s20+$0xFFFFFFF0];
	s27 =	ssub.s32 s28, s27;
	s31 =	sadd.s32 $0xFFFFF880, s26;
	s24 =	simm.s32 @p1 $0x0  }
0x18: {  	v60 =	vld [tilespmem:s20+$0x0];
	s26 =	ssub.s32 $0x800, s26;
	s28 =	sand.u32 $0x380, s30;
	s30 =	smul.u32 $0x138800, s11  }
0x19: {  	v61 =	vld [tilespmem:s20+$0x10];
	[tilespmem:s22+$0x3870 ss:$0x81] =	vst.msk $0xffff, v1;
	p1 =	sgt.s32 s31, $0x7F;
	s29 =	sadd.s32 $0xFFFFECF8, s27;
	s31 =	sand.u32 $0x78, s10  }
0x1a: {  	v62 =	vld [tilespmem:s20+$0x20];
	[tilespmem:s22+$0x810 ss:$0x81] =	vst.msk $0xffff, v5;
	s21 =	sshrl.u32 s21, $0x1;
	s26 =	simm.s32 @p1 $0x0;
	p1 =	sgt.s32 s29, $0x7F  }
0x1b: {  	v63 =	vld [tilespmem:s20+$0xFFFFFFC0];
	[tilespmem:s22+$0x1020 ss:$0x81] =	vst.msk $0xffff, v58;
	s29 =	sand.u32 $0x400, s25;
	s21 =	smul.u32 $0x1388, s21;
	s25 =	ssub.s32 $0x1388, s27  }
0x1c: {  	[tilespmem:s22+$0x1830 ss:$0x81] =	vst.msk $0xffff, v59;
	s27 =	sadd.s32 s2, s30;
	s24 =	smul.u32 s24, s26;
	s20 =	sor.u32 s31, s29  }
0x1d: {  	[tilespmem:s22+$0x2040 ss:$0x81] =	vst.msk $0xffff, v60;
	s25 =	simm.s32 @p1 $0x0;
	s20 =	sor.u32 s28, s20;
	s21 =	ssub.s32 s23, s21  }
0x1e: {  	[tilespmem:s22+$0x2850 ss:$0x81] =	vst.msk $0xffff, v61;
	s28 =	sand.u32 $0x7, s10;
	s31 =	smul.u32 s25, s24;
	s20 =	sshrl.u32 s20, $0x3  }
0x1f: {  	[tilespmem:s22+$0x3060 ss:$0x81] =	vst.msk $0xffff, v62;
	s21 =	sshll.u32 s21, $0x8;
	s29 =	sshll.u32 s28, $0x12;
	s20 =	sadd.s32 s20, s27  }
0x20: {  	[tilespmem:s22+$0x0 ss:$0x81] =	vst.msk $0xffff, v63;
	s30 =	sand.u32 $0x3FFFFFFF, s31;
	s20 =	sadd.s32 s21, s20;
	s31 =	sor.u32 $0x400, s29  }
0x21: {  	[hbm4b:s20+s31] =	stream.strided.scatter [tilespmem:s19], [sflag:$0x2], s30, s8, s31, $0x20;
	[tilespmem:$0x10100] =	vst v63  }
.LBB1_5:
0x22: {  	p1 =	slt.u32 s15, $0x2  }
0x23: {  	p2 =	sgt.s32 @!p1 s18, $0xF  }
0x24: {  	s19 =	smov.u32 s18;
	s20 =	sshra.s32 @!p1 s18, $0x1F;
	p2 =	por !p2, p1  }
0x25: {  	s18 =	sand.u32 @!p1 s20, s18;
	s19 =	simm.s32 @p2 $0xF  }
0x26: {  	p3 =	sgt.s32 @!p1 s17, $0x780;
	s18 =	ssub.s32 @!p1 s19, s18  }
0x27: {  	p3 =	por !p3, p1;
	s20 =	sshra.s32 @!p1 s17, $0x1F;
	s19 =	sadd.s32 @!p1 $0xFFFFFFF1, s18  }
0x28: {  	s18 =	ssub.s32 @!p1 $0x10, s18;
	p2 =	sgt.s32 @!p1 s19, $0x0;
	s19 =	smov.u32 s17  }
0x29: {  	s17 =	sand.u32 @!p1 s20, s17;
	s19 =	simm.s32 @p3 $0x780;
	p3 =	sgt.s32 @!p1 s16, $0x1308  }
0x2a: {  	s20 =	smov.u32 s16;
	p2 =	por !p2, p1;
	p3 =	por !p3, p1  }
0x2b: {  	s17 =	ssub.s32 @!p1 s19, s17;
	s19 =	sshra.s32 @!p1 s16, $0x1F;
	s18 =	simm.s32 @!p2 $0x0  }
0x2c: {  	s20 =	simm.s32 @p3 $0x1308;
	s16 =	sand.u32 @!p1 s19, s16;
	s19 =	sadd.s32 @!p1 $0xFFFFF880, s17  }
0x2d: {  	s17 =	ssub.s32 @!p1 $0x800, s17;
	s16 =	ssub.s32 @!p1 s20, s16;
	p2 =	sgt.s32 @!p1 s19, $0x7F  }
0x2e: {  	s20 =	smov.u32 s13;
	s19 =	sadd.s32 @!p1 $0xFFFFECF8, s16;
	p2 =	por !p2, p1  }
0x2f: {  	s16 =	ssub.s32 @!p1 $0x1388, s16;
	p3 =	sgt.s32 @!p1 s19, $0x7F;
	s17 =	simm.s32 @!p2 $0x0  }
0x30: {  	s19 =	sadd.s32 $0x80, s12;
	p2 =	por !p3, p1;
	s17 =	smul.u32 @!p1 s18, s17  }
0x31: {  	s18 =	sadd.s32 $0x100, s13;
	s16 =	simm.s32 @!p2 $0x0;
	p2 =	sgt.s32 s19, $0x1387  }
0x32: {  	s21 =	smov.u32 s14;
	s20 =	smov.u32 @p2 s18  }
0x33: {  	s16 =	smul.u32 @!p1 s16, s17;
	s17 =	sadd.s32 $0x10, s14;
	p3 =	sgt.s32 s20, $0x7FF  }
0x34: {  	p0 =	por !p0, !p0;
	s22 =	simm.s32 @!p1 $0x2;
	s21 =	smov.u32 @p3 s17  }
0x35: {  	s19 =	simm.s32 @p2 $0x0;
	s18 =	smov.u32 s11;
	p2 =	sgt.s32 s21, $0xF  }
0x36: {  	s11 =	smov.u32 s14;
	s21 =	smov.u32 @p2 s3;
	p2 =	sne.s32 s15, s7  }
.Ltmp1:
0x37: {  	s16 =	sand.u32 @!p1 $0x3FFFFFFF, s16;
	s20 =	smov.u32 @p3 s1;
	(pc) =	sbr.rel @!p2 .LBB1_6-.Ltmp1, $4  }
0x38: {  	s17 =	smov.u32 s10;
	s10 =	smov.u32 s13;
	_ =	swait.ge @!p1 [sflag:s22], s16  }
0x39: {  	s23 =	ssub.s32 @!p1 $0x0, s16;
	s16 =	smov.u32 s9;
	s9 =	smov.u32 s12  }
0x3a: {  	s12 =	smov.u32 s19;
	s13 =	smov.u32 s20;
	[sflag:s22] =	ssyncset.done @!p1 $0x0  }
0x3b: {  	s15 =	sadd.s32 $0x1, s15;
	[sflag:s22] =	ssyncadd.s32 @!p1 s23;
	s14 =	smov.u32 s21  }
.LBB1_1:
0x3c: {  	p1 =	sge.u32 s15, s5  }
0x3d: {  	s19 =	sshrl.u32 @!p1 s13, $0x3  }
0x3e: {  	s20 =	sshll.u32 @!p1 s12, $0x3;
	s21 =	sshll.u32 @!p1 s13, $0x7;
	s19 =	smul.u32 @!p1 $0xA000, s19  }
0x3f: {  	s22 =	sand.u32 @!p1 $0x7F, s12;
	s20 =	sand.u32 @!p1 $0xFFFFFC00, s20;
	s21 =	sand.u32 @!p1 $0x380, s21  }
0x40: {  	s19 =	sadd.s32 @!p1 s19, s20;
	s20 =	sor.u32 @!p1 s22, s21  }
0x41: {  	s20 =	sor.u32 @!p1 s19, s20  }
0x42: {  	s21 =	smulhi.u32 @!p1 $0xCCCCCCCD, s20  }
0x43: {  	s19 =	smulhi.u32 @!p1 $0xCCCCCCCD, s19  }
0x44: {  	s21 =	sshrl.u32 @!p1 s21, $0xC  }
0x45: {  	s31 =	sadd.s32 $0xFFFFFFFF, s15;
	s19 =	sshrl.u32 @!p1 s19, $0xC;
	s21 =	smul.u32 @!p1 $0x1400, s21  }
0x46: {  	s23 =	smul.u32 @!p1 $0x140000, s14;
	s22 =	sxor.u32 @!p1 $0xFFFFFFFF, s15;
	s19 =	sand.u32 @!p1 $0x7FF, s19  }
0x47: {  	s22 =	sshll.u32 @!p1 s22, $0xE;
	s19 =	smul.u32 @!p1 $0x280, s19;
	s20 =	ssub.s32 @!p1 s20, s21  }
0x48: {  	s21 =	sand.u32 @!p1 $0x4000, s22;
	s22 =	sadd.s32 @!p1 s6, s23;
	s23 =	sand.u32 @!p1 $0x7, s20  }
0x49: {  	s20 =	sshrl.u32 @!p1 s20, $0x3;
	s19 =	sadd.s32 @!p1 s19, s22;
	s22 =	sshll.u32 @!p1 s23, $0x12  }
0x4a: {  	s19 =	sadd.s32 @!p1 s20, s19;
	s20 =	sor.u32 @!p1 $0x400, s22;
	s22 =	simm.s32 @!p1 $0xA000  }
0x4b: {  	[tilespmem:s21], [sflag:$0x1] =	stream.strided.gather @!p1 [hbm4b:s19+s20], $0x4000, s22, s20, $0x38;
	[tilespmem:$0x10100] =	vst v63  }
0x4c: {  	p1 =	sge.u32 s31, s5  }
.Ltmp2:
0x4d: {  	_ = 	snop;
	(pc) =	sbr.rel @p1 .LBB1_5-.Ltmp2, $1  }
0x4e: {  	_ =	sdelay $0x3  }
0x4f: {  	s19 =	simm.s32 $0x1  }
0x50: {  	_ =	swait.ge [sflag:s4], $0x4000;
	s19 =	simm.s32 @!p0 $0x0  }
0x51: {  	[sflag:s4] =	ssyncset.done $0x0;
	s20 =	sshll.u32 s19, $0xE  }
0x52: {  	[sflag:s4] =	ssyncadd.s32 $0xFFFFC000;
	s20 =	sor.u32 $0x40, s20  }
0x53: {  	s19 =	smul.u32 $0x10200, s19;
	v0 =	vld [tilespmem:s20+$0x30]  }
0x54: {  	v1 =	vld [tilespmem:s20+$0xFFFFFFD0]  }
0x55: {  	s19 =	sshrl.u32 s19, $0x2;
	v5 =	vld [tilespmem:s20+$0xFFFFFFE0]  }
0x56: {  	v6 =	vld [tilespmem:s20+$0xFFFFFFF0];
	s22 =	sor.u32 $0x8000, s19  }
0x57: {  	s31 =	sand.u32 $0x1, s15;
	v4 =	vld [tilespmem:s20+$0x0];
	s21 =	sadd.s32 $0x0, s22  }
0x58: {  	v3 =	vld [tilespmem:s20+$0x10];
	s19 =	smul.u32 $0x10200, s31;
	[tilespmem:s21+$0x3870 ss:$0x81] =	vst.msk $0xffff, v0  }
0x59: {  	v2 =	vld [tilespmem:s20+$0x20];
	[tilespmem:s21+$0x810 ss:$0x81] =	vst.msk $0xffff, v1  }
0x5a: {  	s19 =	sshrl.u32 s19, $0x2;
	v0 =	vld [tilespmem:s20+$0xFFFFFFC0];
	[tilespmem:s21+$0x1020 ss:$0x81] =	vst.msk $0xffff, v5;
	s20 =	sadd.s32 $0x80, s20  }
0x5b: {  	s23 =	simm.s32 $0x4;
	s24 =	simm.s32 $0x8;
	s19 =	sor.u32 $0x8000, s19;
	[tilespmem:s21+$0x1830 ss:$0x81] =	vst.msk $0xffff, v6;
	v1 =	vld [tilespmem:s20+$0x30]  }
.LBB1_3:
0x5c: {  	p1 =	sne.s32 s24, $0x1FC;
	v5 =	vld [tilespmem:s20+$0xFFFFFFD0];
	[tilespmem:s21+$0x2040 ss:$0x81] =	vst.msk $0xffff, v4  }
0x5d: {  	v6 =	vld [tilespmem:s20+$0xFFFFFFE0];
	[tilespmem:s21+$0x2850 ss:$0x81] =	vst.msk $0xffff, v3  }
0x5e: {  	s25 =	sshra.s32 s23, $0x2;
	s23 =	smov.u32 s24;
	v7 =	vld [tilespmem:s20+$0xFFFFFFF0];
	[tilespmem:s21+$0x3060 ss:$0x81] =	vst.msk $0xffff, v2  }
.Ltmp3:
0x5f: {  	v4 =	vld [tilespmem:s20+$0x0];
	[tilespmem:s21+$0x0 ss:$0x81] =	vst.msk $0xffff, v0;
	s21 =	sadd.s32 s25, s22;
	(pc) =	sbr.rel @p1 .LBB1_3-.Ltmp3, $4  }
0x60: {  	v3 =	vld [tilespmem:s20+$0x10];
	[tilespmem:s21+$0x3870 ss:$0x81] =	vst.msk $0xffff, v1  }
0x61: {  	[tilespmem:s21+$0x810 ss:$0x81] =	vst.msk $0xffff, v5;
	v2 =	vld [tilespmem:s20+$0x20]  }
0x62: {  	v0 =	vld [tilespmem:s20+$0xFFFFFFC0];
	[tilespmem:s21+$0x1020 ss:$0x81] =	vst.msk $0xffff, v6;
	s20 =	sadd.s32 $0x80, s20  }
0x63: {  	s24 =	sadd.s32 $0x4, s24;
	v1 =	vld [tilespmem:s20+$0x30];
	[tilespmem:s21+$0x1830 ss:$0x81] =	vst.msk $0xffff, v7  }
.Ltmp4:
0x64: {  	_ = 	snop;
	(pc) =	sbr.rel .LBB1_4-.Ltmp4, $1  }
0x65: {  	_ =	sdelay $0x3  }
.LBB1_6:
0x66: {  	_ =	sfence.sel $0x180000  }
0x67: {  	s1 =	simm.s32 $0x1;
	[bflag:$0x0] =	sbarrier.arrive $0xFFFF  }
0x68: {  	s31 =	simm.s32 $0x2;
	[sflag:s1] =	ssyncpa.u1 $0x1  }
0x69: {  	[sflag:s31] =	ssyncpa.u1 $0x1  }
0x6a: {  	p0 =	sne.s32 s3, $0x0;
	_ =	strace $0x90000047  }
0x6b: {  	s0 =	sadd.s32 @!p0 $0x100000, s0;
	[bflag:$0x2] =	sbarrier.arrive $0xFFFF  }
0x6c: {  	[sflag:s0] =	ssyncadd.tile.s32 @!p0 $0x1;
	_ =	shalt  }
.Lfunc_end1:
_tile_overlayer_lowered:
.L_overlay_start_2:
0x6d: {  	(tag) =	ssettag $0x2  }
0x6e: {  	s0 =	rddreg [dreg:$0x0];
	s2 =	stileid.u32  }
0x6f: {  	s1 =	rddreg [dreg:$0x1];
	p0 =	sne.s32 s2, $0x0  }
0x70: {  	s3 =	rddreg [dreg:$0x2];
	[bflag:$0x3] =	sbarrier.arrive $0xFFFF;
	s2 =	simm.s32 @!p0 $0x1C01  }
0x71: {  	[timem:s3], [sflag:s2] =	dma.local @!p0 [hbm:s0], s1  }
0x72: {  	s0 =	simm.s32 @!p0 $0x1  }
0x73: {  	_ =	swait.ge @!p0 [sflag:s0], s1  }
0x74: {  	s1 =	ssub.s32 @!p0 $0x0, s1;
	[sflag:s0] =	ssyncset.done @!p0 $0x0  }
0x75: {  	[sflag:s0] =	ssyncadd.s32 @!p0 s1  }
0x76: {  	[bflag:$0x3] =	sbarrier.arrive $0xFFFF  }
0x77: {  	_ =	shalt  }

</sc_bundles>
